<compile_context>
chip_gen: v7x
topology: tpu7x:2x2x1
jax: 0.10.2.dev20260603
libtpu: 0.0.44.dev20260713+nightly
codegen_flags: <defaults>
</compile_context>

<pallas_src>
import functools

import jax
import jax.numpy as jnp
from jax import lax
from jax.experimental import pallas as pl
from jax.experimental.pallas import tpu as pltpu
from jax.experimental.pallas import tpu_sc as plsc

Q = 0.7
K = 0.5
B = 4096
C = 1000
LQK = (1.0 - K ** Q) / Q

BC = 512
NBLK = B // BC

NUM_SC_CORES = 2


def _make_weight_gather():
    info = plsc.get_sparse_core_info()
    NC, NS, L = NUM_SC_CORES, info.num_subcores, info.num_lanes
    NW = NC * NS
    per_w = B // NW
    chunks = per_w // L

    mesh = plsc.VectorSubcoreMesh(
        core_axis_name="c", subcore_axis_name="s", num_cores=NC)

    @functools.partial(
        pl.kernel,
        mesh=mesh,
        out_type=jax.ShapeDtypeStruct((NW, L), jnp.float32),
        scratch_types=[
            pltpu.VMEM((per_w,), jnp.int32),
            pltpu.VMEM((per_w,), jnp.float32),
            pltpu.VMEM((L,), jnp.float32),
            pltpu.SemaphoreType.DMA,
        ],
    )
    def wgather(idx_hbm, table_hbm, out_hbm, idx_v, rows_v, acc_v, sem):
        wid = lax.axis_index("s") * NC + lax.axis_index("c")
        base = wid * per_w
        pltpu.sync_copy(idx_hbm.at[pl.ds(base, per_w)], idx_v)
        pltpu.async_copy(table_hbm.at[idx_v], rows_v, sem).wait()
        acc = rows_v[pl.ds(0, L)]
        for cidx in range(1, chunks):
            acc = acc + rows_v[pl.ds(cidx * L, L)]
        acc_v[...] = acc
        pltpu.sync_copy(acc_v, out_hbm.at[wid])

    return wgather, NW, L


def _tc_body(x_ref, t_ref, o_ref):
    i = pl.program_id(0)
    x = x_ref[...]
    t = t_ref[...].reshape(1, BC)
    row = lax.broadcasted_iota(jnp.int32, x.shape, 0)
    colmax = jnp.max(x, axis=0, keepdims=True)
    sumexp = jnp.sum(jnp.exp(x - colmax), axis=0, keepdims=True)
    tl = jnp.max(jnp.where(row == t, x, -jnp.inf), axis=0, keepdims=True)
    logp = tl - colmax - jnp.log(sumexp)
    lq = (1.0 - jnp.exp(Q * logp)) * (1.0 / Q)
    part = jnp.sum(lq, axis=1, keepdims=True)

    @pl.when(i == 0)
    def _init():
        o_ref[...] = jnp.zeros_like(part)

    o_ref[...] += part


def kernel(logits, targets, indexes, weight):
    wgather, NW, L = _make_weight_gather()
    w_parts = wgather(indexes.astype(jnp.int32), weight[:, 0])

    xt = logits.T
    xt = pltpu.with_memory_space_constraint(xt, pltpu.MemorySpace.HBM)
    t3 = targets.astype(jnp.int32).reshape(NBLK, 1, BC)
    lqsum = pl.pallas_call(
        _tc_body,
        grid=(NBLK,),
        in_specs=[
            pl.BlockSpec((C, BC), lambda i: (0, i)),
            pl.BlockSpec((1, 1, BC), lambda i: (i, 0, 0)),
        ],
        out_specs=pl.BlockSpec((1, 1), lambda i: (0, 0)),
        out_shape=jax.ShapeDtypeStruct((1, 1), jnp.float32),
    )(xt, t3)
    return (lqsum[0, 0] * (1.0 / B) - LQK) * (jnp.sum(w_parts) * (1.0 / B))

# --- scband reference (transcript-rebuilt; emitter-appended) ---
"""Pipeline reference for scband-gceloss-78563541778973 (READ-ONLY COPY).

The authoritative reference and input builder live on the scoring server;
editing this copy changes nothing except your own understanding.
"""

import jax, jax.numpy as jnp
import numpy as np

Q = 0.7
K = 0.5
TRAINSET_SIZE = 50000
B = 4096
C = 1000


def setup_inputs(seed: int = 0) -> dict:
    key = jax.random.key(seed)
    k1, k2, k3 = jax.random.split(key, 3)
    logits = jax.random.normal(k1, (B, C), dtype=jnp.float32)
    targets = jax.random.randint(k2, (B,), 0, C)
    indexes = jax.random.randint(k3, (B,), 0, TRAINSET_SIZE)
    weight = jnp.ones((TRAINSET_SIZE, 1), dtype=jnp.float32)  # non-trainable buffer
    return {"logits": logits, "targets": targets, "indexes": indexes, "weight": weight}


def reference(logits, targets, indexes, weight):
    # GCE loss: pred = softmax(logits), labels = one-hot(targets)
    pred = jax.nn.softmax(logits, axis=-1)
    labels = jax.nn.one_hot(targets, logits.shape[-1], dtype=logits.dtype)
    Lq = (1.0 - jnp.power(jnp.sum(labels * pred, axis=-1), Q)) / Q  # [B]
    Lqk = (1.0 - K ** Q) / Q
    w = jnp.take(weight, indexes, axis=0)  # [B, 1]
    # NOTE: torch broadcasting of [B] * [B,1] -> [B,B]; replicated faithfully here
    loss = (Lq - Lqk) * w
    loss = jnp.mean(loss)
    return loss

if __name__ == "__main__":
    import jax
    _d = setup_inputs()
    print(jax.jit(kernel)(*tuple(_d.values())))

</pallas_src>

<mosaic_0001>
#map = affine_map<(d0, d1) -> (0)>
#map1 = affine_map<(d0, d1) -> (0, 0)>
module attributes {stable_mosaic.version = 14 : i64} {
  func.func @wgather(%arg0: i32, %arg1: i32, %arg2: memref<4096xi32, #tpu.memory_space<hbm>>, %arg3: memref<50000xf32, #tpu.memory_space<hbm>>, %arg4: memref<32x16xf32, #tpu.memory_space<hbm>>, %arg5: memref<128xi32, #tpu.memory_space<vmem>>, %arg6: memref<128xf32, #tpu.memory_space<vmem>>, %arg7: memref<16xf32, #tpu.memory_space<vmem>>, %arg8: memref<!tpu.dma_semaphore, #tpu.memory_space<semaphore_mem>>) attributes {dimension_semantics = [#tpu.dimension_semantics<core_parallel>, #tpu.dimension_semantics<subcore_parallel>], iteration_bounds = array<i64: 2, 16>, scalar_prefetch = 0 : i64, scratch_operands = 4 : i64, tpu.core_type = #tpu.core_type<sc_vector_subcore>, window_params = [{transform_indices = #map}, {transform_indices = #map}, {transform_indices = #map1}]} {
    %mul3A = arith.constant 2 : i32
    %mul3A_0 = arith.muli %arg1, %mul3A : i32
    %add3A = arith.addi %mul3A_0, %arg0 : i32
    %mul3A_1 = arith.constant 128 : i32
    %mul3A_2 = arith.muli %add3A, %mul3A_1 : i32
    "tpu.region"() ({
      %run_scoped3A = tpu.sem_alloc : memref<!tpu.dma_semaphore, #tpu.memory_space<semaphore_mem>>
      %dma_start3A_38 = tpu.memref_slice %arg2[%mul3A_2] : memref<4096xi32, #tpu.memory_space<hbm>> -> memref<128xi32, #tpu.memory_space<hbm>>
      %dma_start3A_39 = tpu.memref_slice %arg2[%mul3A_2] : memref<4096xi32, #tpu.memory_space<hbm>> -> memref<128xi32, #tpu.memory_space<hbm>>
      tpu.enqueue_dma source(%dma_start3A_39 : memref<128xi32, #tpu.memory_space<hbm>>) target(%arg5 : memref<128xi32, #tpu.memory_space<vmem>>) target_semaphore(%run_scoped3A : memref<!tpu.dma_semaphore, #tpu.memory_space<semaphore_mem>>)
      %dma_wait3A_40 = tpu.memref_slice %arg2[%mul3A_2] : memref<4096xi32, #tpu.memory_space<hbm>> -> memref<128xi32, #tpu.memory_space<hbm>>
      %dma_wait3A_41 = tpu.memref_slice %arg2[%mul3A_2] : memref<4096xi32, #tpu.memory_space<hbm>> -> memref<128xi32, #tpu.memory_space<hbm>>
      tpu.wait_dma2 semaphore(%run_scoped3A : memref<!tpu.dma_semaphore, #tpu.memory_space<semaphore_mem>>) src(%dma_wait3A_41 : memref<128xi32, #tpu.memory_space<hbm>>) dst(%arg5 : memref<128xi32, #tpu.memory_space<vmem>>)
      tpu.yield
    }) : () -> ()
    %dma_start3A = arith.constant 0 : i32
    %dma_start3A_3 = tpu.memref_slice %arg3[%dma_start3A] : memref<50000xf32, #tpu.memory_space<hbm>> -> memref<50000xf32, #tpu.memory_space<hbm>>
    tpu.enqueue_indirect_dma source(%dma_start3A_3 : memref<50000xf32, #tpu.memory_space<hbm>>) target(%arg6 : memref<128xf32, #tpu.memory_space<vmem>>) offsets(%arg5 : memref<128xi32, #tpu.memory_space<vmem>>) semaphore(%arg8 : memref<!tpu.dma_semaphore, #tpu.memory_space<semaphore_mem>>)
    %dma_wait3A = arith.constant 0 : i32
    %dma_wait3A_4 = tpu.memref_slice %arg3[%dma_wait3A] : memref<50000xf32, #tpu.memory_space<hbm>> -> memref<50000xf32, #tpu.memory_space<hbm>>
    tpu.wait_indirect_dma semaphore(%arg8 : memref<!tpu.dma_semaphore, #tpu.memory_space<semaphore_mem>>) src(%dma_wait3A_4 : memref<50000xf32, #tpu.memory_space<hbm>>) dst(%arg6 : memref<128xf32, #tpu.memory_space<vmem>>)
    %get3A = arith.constant 0 : index
    %get3A_5 = tpu.vector_load %arg6[%get3A] {strides = array<i32>} : memref<128xf32, #tpu.memory_space<vmem>>, vector<16xf32>,
    %get3A_6 = vector.shape_cast %get3A_5 : vector<16xf32> to vector<16xf32>
    %get3A_7 = arith.constant 16 : index
    %get3A_8 = tpu.vector_load %arg6[%get3A_7] {strides = array<i32>} : memref<128xf32, #tpu.memory_space<vmem>>, vector<16xf32>,
    %get3A_9 = vector.shape_cast %get3A_8 : vector<16xf32> to vector<16xf32>
    %add3A_10 = arith.addf %get3A_6, %get3A_9 : vector<16xf32>
    %get3A_11 = arith.constant 32 : index
    %get3A_12 = tpu.vector_load %arg6[%get3A_11] {strides = array<i32>} : memref<128xf32, #tpu.memory_space<vmem>>, vector<16xf32>,
    %get3A_13 = vector.shape_cast %get3A_12 : vector<16xf32> to vector<16xf32>
    %add3A_14 = arith.addf %add3A_10, %get3A_13 : vector<16xf32>
    %get3A_15 = arith.constant 48 : index
    %get3A_16 = tpu.vector_load %arg6[%get3A_15] {strides = array<i32>} : memref<128xf32, #tpu.memory_space<vmem>>, vector<16xf32>,
    %get3A_17 = vector.shape_cast %get3A_16 : vector<16xf32> to vector<16xf32>
    %add3A_18 = arith.addf %add3A_14, %get3A_17 : vector<16xf32>
    %get3A_19 = arith.constant 64 : index
    %get3A_20 = tpu.vector_load %arg6[%get3A_19] {strides = array<i32>} : memref<128xf32, #tpu.memory_space<vmem>>, vector<16xf32>,
    %get3A_21 = vector.shape_cast %get3A_20 : vector<16xf32> to vector<16xf32>
    %add3A_22 = arith.addf %add3A_18, %get3A_21 : vector<16xf32>
    %get3A_23 = arith.constant 80 : index
    %get3A_24 = tpu.vector_load %arg6[%get3A_23] {strides = array<i32>} : memref<128xf32, #tpu.memory_space<vmem>>, vector<16xf32>,
    %get3A_25 = vector.shape_cast %get3A_24 : vector<16xf32> to vector<16xf32>
    %add3A_26 = arith.addf %add3A_22, %get3A_25 : vector<16xf32>
    %get3A_27 = arith.constant 96 : index
    %get3A_28 = tpu.vector_load %arg6[%get3A_27] {strides = array<i32>} : memref<128xf32, #tpu.memory_space<vmem>>, vector<16xf32>,
    %get3A_29 = vector.shape_cast %get3A_28 : vector<16xf32> to vector<16xf32>
    %add3A_30 = arith.addf %add3A_26, %get3A_29 : vector<16xf32>
    %get3A_31 = arith.constant 112 : index
    %get3A_32 = tpu.vector_load %arg6[%get3A_31] {strides = array<i32>} : memref<128xf32, #tpu.memory_space<vmem>>, vector<16xf32>,
    %get3A_33 = vector.shape_cast %get3A_32 : vector<16xf32> to vector<16xf32>
    %add3A_34 = arith.addf %add3A_30, %get3A_33 : vector<16xf32>
    %swap3A = arith.constant 0 : index
    %swap3A_35 = tpu.vector_load %arg7[%swap3A] {strides = array<i32>} : memref<16xf32, #tpu.memory_space<vmem>>, vector<16xf32>,
    %swap3A_36 = vector.shape_cast %swap3A_35 : vector<16xf32> to vector<16xf32>
    %swap3A_37 = vector.shape_cast %add3A_34 : vector<16xf32> to vector<16xf32>
    tpu.vector_store %arg7[%swap3A], %swap3A_37 {strides = array<i32>} : memref<16xf32, #tpu.memory_space<vmem>>, vector<16xf32>,
    "tpu.region"() ({
      %run_scoped3A = tpu.sem_alloc : memref<!tpu.dma_semaphore, #tpu.memory_space<semaphore_mem>>
      %dma_start3A_38 = arith.constant 0 : i32
      %dma_start3A_39 = tpu.memref_slice %arg4[%add3A, %dma_start3A_38] : memref<32x16xf32, #tpu.memory_space<hbm>> -> memref<1x16xf32, #tpu.memory_space<hbm>>
      %dma_start3A_40 = tpu.memref_squeeze %dma_start3A_39 : memref<1x16xf32, #tpu.memory_space<hbm>> -> memref<16xf32, #tpu.memory_space<hbm>>
      %dma_start3A_41 = arith.constant 0 : i32
      %dma_start3A_42 = tpu.memref_slice %arg4[%add3A, %dma_start3A_41] : memref<32x16xf32, #tpu.memory_space<hbm>> -> memref<1x16xf32, #tpu.memory_space<hbm>>
      %dma_start3A_43 = tpu.memref_squeeze %dma_start3A_42 : memref<1x16xf32, #tpu.memory_space<hbm>> -> memref<16xf32, #tpu.memory_space<hbm>>
      tpu.enqueue_dma source(%arg7 : memref<16xf32, #tpu.memory_space<vmem>>) target(%dma_start3A_43 : memref<16xf32, #tpu.memory_space<hbm>>) target_semaphore(%run_scoped3A : memref<!tpu.dma_semaphore, #tpu.memory_space<semaphore_mem>>)
      %dma_wait3A_44 = arith.constant 0 : i32
      %dma_wait3A_45 = tpu.memref_slice %arg4[%add3A, %dma_wait3A_44] : memref<32x16xf32, #tpu.memory_space<hbm>> -> memref<1x16xf32, #tpu.memory_space<hbm>>
      %dma_wait3A_46 = tpu.memref_squeeze %dma_wait3A_45 : memref<1x16xf32, #tpu.memory_space<hbm>> -> memref<16xf32, #tpu.memory_space<hbm>>
      %dma_wait3A_47 = arith.constant 0 : i32
      %dma_wait3A_48 = tpu.memref_slice %arg4[%add3A, %dma_wait3A_47] : memref<32x16xf32, #tpu.memory_space<hbm>> -> memref<1x16xf32, #tpu.memory_space<hbm>>
      %dma_wait3A_49 = tpu.memref_squeeze %dma_wait3A_48 : memref<1x16xf32, #tpu.memory_space<hbm>> -> memref<16xf32, #tpu.memory_space<hbm>>
      tpu.wait_dma2 semaphore(%run_scoped3A : memref<!tpu.dma_semaphore, #tpu.memory_space<semaphore_mem>>) src(%arg7 : memref<16xf32, #tpu.memory_space<vmem>>) dst(%dma_wait3A_49 : memref<16xf32, #tpu.memory_space<hbm>>)
      tpu.yield
    }) : () -> ()
    return
  }
}

module attributes {stable_mosaic.version = 14 : i64} {
  func.func @_tc_body(%arg0: i32, %arg1: memref<1000x512xf32, #tpu.memory_space<vmem>>, %arg2: memref<1x1x512xi32, #tpu.memory_space<vmem>>, %arg3: memref<1x1xf32, #tpu.memory_space<vmem>>) attributes {dimension_semantics = [#tpu.dimension_semantics<arbitrary>], iteration_bounds = array<i64: 8>, scalar_prefetch = 0 : i64, scratch_operands = 0 : i64, tpu.core_type = #tpu.core_type<tc>, window_params = [{transform_indices = @transform_0, window_bounds = array<i64: 1000, 512>}, {transform_indices = @transform_1, window_bounds = array<i64: 1, 1, 512>}, {pipeline_mode = #tpu.pipeline_mode<synchronous>, transform_indices = @transform_2, window_bounds = array<i64: 1, 1>}]} {
    %get3A = arith.constant 0 : index
    %get3A_0 = arith.constant 0 : index
    %get3A_1 = vector.load %arg1[%get3A, %get3A_0] : memref<1000x512xf32, #tpu.memory_space<vmem>>, vector<1000x512xf32>
    %get3A_2 = arith.constant 0 : index
    %get3A_3 = arith.constant 0 : index
    %get3A_4 = arith.constant 0 : index
    %get3A_5 = vector.load %arg2[%get3A_2, %get3A_3, %get3A_4] : memref<1x1x512xi32, #tpu.memory_space<vmem>>, vector<1x1x512xi32>
    %reshape3A = vector.shape_cast %get3A_5 : vector<1x1x512xi32> to vector<1x512xi32>
    %iota3A = tpu.iota {dimensions = array<i32: 0>} : vector<1000x512xi32>
    %reduce_max3A = arith.constant dense<0xFF800000> : vector<512xf32>
    %reduce_max3A_6 = vector.multi_reduction <maximumf>, %get3A_1, %reduce_max3A [0] : vector<1000x512xf32> to vector<512xf32>
    %broadcast_in_dim3A = vector.shape_cast %reduce_max3A_6 : vector<512xf32> to vector<1x512xf32>
    %sub3A = vector.broadcast %broadcast_in_dim3A : vector<1x512xf32> to vector<1000x512xf32>
    %sub3A_7 = arith.subf %get3A_1, %sub3A : vector<1000x512xf32>
    %exp3A = math.exp %sub3A_7 : vector<1000x512xf32>
    %reduce_sum3A = arith.constant dense<0.000000e+00> : vector<512xf32>
    %reduce_sum3A_8 = vector.multi_reduction <add>, %exp3A, %reduce_sum3A [0] : vector<1000x512xf32> to vector<512xf32>
    %broadcast_in_dim3A_9 = vector.shape_cast %reduce_sum3A_8 : vector<512xf32> to vector<1x512xf32>
    %eq3A = vector.broadcast %reshape3A : vector<1x512xi32> to vector<1000x512xi32>
    %eq3A_10 = arith.cmpi eq, %iota3A, %eq3A : vector<1000x512xi32>
    %jit3A = arith.constant 0xFF800000 : f32
    %broadcast_in_dim3A_11 = vector.broadcast %jit3A : f32 to vector<1000x512xf32>
    %select_n3A = arith.select %eq3A_10, %get3A_1, %broadcast_in_dim3A_11 : vector<1000x512xi1>, vector<1000x512xf32>
    %reduce_max3A_12 = arith.constant dense<0xFF800000> : vector<512xf32>
    %reduce_max3A_13 = vector.multi_reduction <maximumf>, %select_n3A, %reduce_max3A_12 [0] : vector<1000x512xf32> to vector<512xf32>
    %broadcast_in_dim3A_14 = vector.shape_cast %reduce_max3A_13 : vector<512xf32> to vector<1x512xf32>
    %sub3A_15 = arith.subf %broadcast_in_dim3A_14, %broadcast_in_dim3A : vector<1x512xf32>
    %log3A = math.log %broadcast_in_dim3A_9 : vector<1x512xf32>
    %sub3A_16 = arith.subf %sub3A_15, %log3A : vector<1x512xf32>
    %mul3A = arith.constant 0.699999988 : f32
    %mul3A_17 = vector.broadcast %mul3A : f32 to vector<1x512xf32>
    %mul3A_18 = arith.mulf %mul3A_17, %sub3A_16 : vector<1x512xf32>
    %exp3A_19 = math.exp %mul3A_18 : vector<1x512xf32>
    %sub3A_20 = arith.constant 1.000000e+00 : f32
    %sub3A_21 = vector.broadcast %sub3A_20 : f32 to vector<1x512xf32>
    %sub3A_22 = arith.subf %sub3A_21, %exp3A_19 : vector<1x512xf32>
    %mul3A_23 = arith.constant 1.42857146 : f32
    %mul3A_24 = vector.broadcast %mul3A_23 : f32 to vector<1x512xf32>
    %mul3A_25 = arith.mulf %sub3A_22, %mul3A_24 : vector<1x512xf32>
    %reduce_sum3A_26 = arith.constant dense<0.000000e+00> : vector<1xf32>
    %reduce_sum3A_27 = vector.multi_reduction <add>, %mul3A_25, %reduce_sum3A_26 [1] : vector<1x512xf32> to vector<1xf32>
    %broadcast_in_dim3A_28 = vector.shape_cast %reduce_sum3A_27 : vector<1xf32> to vector<1x1xf32>
    %eq3A_29 = arith.constant 0 : i32
    %eq3A_30 = arith.cmpi eq, %arg0, %eq3A_29 : i32
    %convert_element_type3A = arith.extui %eq3A_30 : i1 to i32
    %cond3A = arith.constant 0 : i32
    %cond3A_31 = arith.cmpi ne, %convert_element_type3A, %cond3A : i32
    scf.if %cond3A_31 {
      %broadcast_in_dim3A_37 = arith.constant 0.000000e+00 : f32
      %broadcast_in_dim3A_38 = vector.broadcast %broadcast_in_dim3A_37 : f32 to vector<1x1xf32>
      %swap3A_39 = arith.constant 0 : index
      %swap3A_40 = arith.constant 0 : index
      %swap3A_41 = vector.load %arg3[%swap3A_39, %swap3A_40] : memref<1x1xf32, #tpu.memory_space<vmem>>, vector<1x1xf32>
      tpu.vector_store %arg3[%swap3A_39, %swap3A_40], %broadcast_in_dim3A_38 {strides = array<i32>} : memref<1x1xf32, #tpu.memory_space<vmem>>, vector<1x1xf32>,
    } else {
    }
    %get3A_32 = arith.constant 0 : index
    %get3A_33 = arith.constant 0 : index
    %get3A_34 = vector.load %arg3[%get3A_32, %get3A_33] : memref<1x1xf32, #tpu.memory_space<vmem>>, vector<1x1xf32>
    %add3A = arith.addf %get3A_34, %broadcast_in_dim3A_28 : vector<1x1xf32>
    %swap3A = arith.constant 0 : index
    %swap3A_35 = arith.constant 0 : index
    %swap3A_36 = vector.load %arg3[%swap3A, %swap3A_35] : memref<1x1xf32, #tpu.memory_space<vmem>>, vector<1x1xf32>
    tpu.vector_store %arg3[%swap3A, %swap3A_35], %add3A {strides = array<i32>} : memref<1x1xf32, #tpu.memory_space<vmem>>, vector<1x1xf32>,
    return
  }
  func.func @transform_0(%arg0: i32) -> (i32, i32) {
    %c0_i32 = arith.constant 0 : i32
    %c0_i32_0 = arith.constant 0 : i32
    return %c0_i32, %arg0 : i32, i32
  }
  func.func @transform_1(%arg0: i32) -> (i32, i32, i32) {
    %c0_i32 = arith.constant 0 : i32
    %c0_i32_0 = arith.constant 0 : i32
    %c0_i32_1 = arith.constant 0 : i32
    return %arg0, %c0_i32, %c0_i32_0 : i32, i32, i32
  }
  func.func @transform_2(%arg0: i32) -> (i32, i32) {
    %c0_i32 = arith.constant 0 : i32
    %c0_i32_0 = arith.constant 0 : i32
    %c0_i32_1 = arith.constant 0 : i32
    return %c0_i32, %c0_i32_0 : i32, i32
  }
}

</mosaic_0001>

<sc_bundles>
// kernel: kernel.4.cloned.1.call-start
scs
__scs_entry_jumppad:
0x0: {  	(pc) =	sbr.rel $0x88, $3  }
0x1: {  	(tag) =	ssettag $0x0;
	lr =	simm.s32 $0x1  }
0x2: {  	[smem:$0x3F9D] =	sst lr;
	_ =	strace $0xD0000000  }
0x3: {  	_ = 	snop  }
0x4: {  	_ = 	snop  }
0x5: {  	_ = 	snop  }
0x6: {  	_ = 	snop  }
0x7: {  	_ = 	snop  }
__scs_overlays_trampoline_lowered:
0x8: {  	[smem:$0x3FAC] =	sst s0  }
0x9: {  	[smem:$0x3FAD] =	sst s1  }
0xa: {  	[smem:$0x3FAE] =	sst s2  }
0xb: {  	[smem:$0x3FAF] =	sst s3  }
0xc: {  	[smem:$0x3FB0] =	sst s4  }
0xd: {  	[smem:$0x3FB1] =	sst s5  }
0xe: {  	[smem:$0x3FB2] =	sst s6  }
0xf: {  	[smem:$0x3FB3] =	sst s7  }
0x10: {  	[smem:$0x3FB4] =	sst s8  }
0x11: {  	[smem:$0x3FB5] =	sst s9;
	s0 =	simm.s32 @!p0 $0x0  }
0x12: {  	s1 =	sld [smem:$0x3F9B];
	s0 =	simm.s32 @p0 $0x1  }
0x13: {  	[smem:$0x3FB6] =	sst s0;
	s0 =	simm.s32 @!p1 $0x0  }
0x14: {  	s2 =	sld [smem:$0x3F9A];
	s0 =	simm.s32 @p1 $0x1  }
0x15: {  	[smem:$0x3FB7] =	sst s0;
	s0 =	simm.s32 @!p2 $0x0  }
0x16: {  	s3 =	sld [smem:$0x3FDB];
	s0 =	simm.s32 @p2 $0x1  }
0x17: {  	s4 =	simm.s32 $0x1BF5;
	[smem:$0x3FB9] =	sst s0  }
0x18: {  	s0 =	sld [smem:$0x3F9C];
	_ =	swait.ge [sflag:s4], $0x0  }
0x19: {  	s7 =	sld [smem:$0x3F9D]  }
0x1a: {  	s8 =	sadd.s32 $0xFFFFE003, lr  }
0x1b: {  	s9 =	sadd.s32 $0xFFFFFEF7, lr;
	s5 =	simm.s32 $0xFFFFFFFF;
	p2 =	slt.u32 s8, $0xFFFFF086  }
0x1c: {  	p1 =	slt.u32 s9, $0xF7A;
	s5 =	simm.s32 @!p2 $0x0  }
0x1d: {  	s5 =	simm.s32 @p1 $0x1;
	p0 =	seq.s32 s7, s2  }
0x1e: {  	s7 =	smul.u32 @!p0 $0xF7A, s2;
	p2 =	seq.s32 @!p0 s5, $0x0  }
0x1f: {  	s9 =	smul.u32 $0xF7A, s1;
	s8 =	simm.s32 @!p0 $0x1BF5;
	p2 =	por !p2, p0  }
0x20: {  	[sflag:s8] =	ssyncset.s32 @!p0 $0xFFFFF086;
	s6 =	sadd.s32 @!p0 s3, s7;
	s7 =	simm.s32 @!p0 $0x108  }
0x21: {  	s3 =	sadd.s32 s3, s9;
	s6 =	sadd.s32 @!p0 $0x88, s6;
	s7 =	simm.s32 @p2 $0x1082  }
0x22: {  	[simem:s7], [sflag:s8] =	dma.local @!p0 [hbm:s6], $0xF7A  }
0x23: {  	s9 =	sor.u32 $0xD0000000, s2;
	s6 =	simm.s32 $0x108;
	_ =	swait.ge @!p0 [sflag:s8], $0x0  }
0x24: {  	s3 =	sadd.s32 $0x88, s3;
	s6 =	simm.s32 @!p1 $0x1082;
	[sflag:s4] =	ssyncset.s32 $0xFFFFF086  }
0x25: {  	[simem:s6], [sflag:s4] =	dma.local [hbm:s3], $0xF7A  }
0x26: {  	[smem:$0x3F9D] =	sst s1;
	(tag) =	ssettag s2;
	_ =	strace s9  }
0x27: {  	s1 =	sld [smem:$0x3FAD]  }
0x28: {  	s2 =	sld [smem:$0x3FAE]  }
0x29: {  	s4 =	sld [smem:$0x3FB0]  }
0x2a: {  	p0 =	seq.s32 s5, $0x0;
	s5 =	sld [smem:$0x3FB1]  }
0x2b: {  	s6 =	sld [smem:$0x3FB2]  }
0x2c: {  	s7 =	sld [smem:$0x3FB3]  }
0x2d: {  	s3 =	simm.s32 $0x108;
	s8 =	sld [smem:$0x3FB4]  }
0x2e: {  	s3 =	simm.s32 @!p0 $0x1082;
	s9 =	sld [smem:$0x3FB5]  }
0x2f: {  	lr =	sadd.s32 s0, s3;
	s0 =	sld [smem:$0x3FAC]  }
0x30: {  	s3 =	sld [smem:$0x3FAF]  }
0x31: {  	[smem:$0x3FB8] =	sst s10  }
0x32: {  	s10 =	sld [smem:$0x3FB6];
	_ =	sdelay $0x3  }
0x33: {  	p0 =	seq.s32 s10, $0x1;
	s10 =	sld [smem:$0x3FB8];
	_ =	sdelay $0x3  }
0x34: {  	[smem:$0x3FB8] =	sst s10  }
0x35: {  	s10 =	sld [smem:$0x3FB7];
	_ =	sdelay $0x3  }
0x36: {  	p1 =	seq.s32 s10, $0x1;
	s10 =	sld [smem:$0x3FB8];
	_ =	sdelay $0x3  }
0x37: {  	[smem:$0x3FB8] =	sst s10  }
0x38: {  	s10 =	sld [smem:$0x3FB9]  }
0x39: {  	_ = 	snop;
	(pc) =	sbr.ind lr, $3  }
0x3a: {  	_ = 	snop  }
0x3b: {  	_ = 	snop  }
0x3c: {  	p2 =	seq.s32 s10, $0x1;
	s10 =	sld [smem:$0x3FB8]  }
0x3d: {  	_ =	shalt  }
0x3e: {  	_ =	shalt  }
0x3f: {  	_ =	shalt  }
0x40: {  	_ =	shalt  }
0x41: {  	_ =	shalt  }
0x42: {  	_ =	shalt  }
0x43: {  	_ =	shalt  }
0x44: {  	_ =	shalt  }
0x45: {  	_ =	shalt  }
0x46: {  	_ =	shalt  }
0x47: {  	_ =	shalt  }
0x48: {  	_ =	shalt  }
0x49: {  	_ =	shalt  }
0x4a: {  	_ =	shalt  }
0x4b: {  	_ =	shalt  }
0x4c: {  	_ =	shalt  }
0x4d: {  	_ =	shalt  }
0x4e: {  	_ =	shalt  }
0x4f: {  	_ =	shalt  }
0x50: {  	_ =	shalt  }
0x51: {  	_ =	shalt  }
0x52: {  	_ =	shalt  }
0x53: {  	_ =	shalt  }
0x54: {  	_ =	shalt  }
0x55: {  	_ =	shalt  }
0x56: {  	_ =	shalt  }
0x57: {  	_ =	shalt  }
0x58: {  	_ =	shalt  }
0x59: {  	_ =	shalt  }
0x5a: {  	_ =	shalt  }
0x5b: {  	_ =	shalt  }
0x5c: {  	_ =	shalt  }
0x5d: {  	_ =	shalt  }
0x5e: {  	_ =	shalt  }
0x5f: {  	_ =	shalt  }
0x60: {  	_ =	shalt  }
0x61: {  	_ =	shalt  }
0x62: {  	_ =	shalt  }
0x63: {  	_ =	shalt  }
0x64: {  	_ =	shalt  }
0x65: {  	_ =	shalt  }
0x66: {  	_ =	shalt  }
0x67: {  	_ =	shalt  }
0x68: {  	_ =	shalt  }
0x69: {  	_ =	shalt  }
0x6a: {  	_ =	shalt  }
0x6b: {  	_ =	shalt  }
0x6c: {  	_ =	shalt  }
0x6d: {  	_ =	shalt  }
0x6e: {  	_ =	shalt  }
0x6f: {  	_ =	shalt  }
0x70: {  	_ =	shalt  }
0x71: {  	_ =	shalt  }
0x72: {  	_ =	shalt  }
0x73: {  	_ =	shalt  }
0x74: {  	_ =	shalt  }
0x75: {  	_ =	shalt  }
0x76: {  	_ =	shalt  }
0x77: {  	_ =	shalt  }
0x78: {  	_ =	shalt  }
0x79: {  	_ =	shalt  }
0x7a: {  	_ =	shalt  }
0x7b: {  	_ =	shalt  }
0x7c: {  	_ =	shalt  }
0x7d: {  	_ =	shalt  }
0x7e: {  	_ =	shalt  }
0x7f: {  	_ =	shalt  }
0x80: {  	_ =	shalt  }
0x81: {  	_ =	shalt  }
0x82: {  	_ =	shalt  }
0x83: {  	_ =	shalt  }
0x84: {  	_ =	shalt  }
0x85: {  	_ =	shalt  }
0x86: {  	_ =	shalt  }
0x87: {  	_ =	shalt  }
.Lfunc_end0:
.L_simem_size_0:
called_computation_lowered:
.L_overlay_start_0:
0x88: {  	s2 =	sld [smem:$0x3FD9]  }
0x89: {  	s3 =	sld [smem:$0x3FFE];
	_ =	sdelay $0x1  }
0x8a: {  	s1 =	srdreg.scid  }
0x8b: {  	s0 =	sand.u32 $0x1, s1  }
0x8c: {  	s17 =	sshll.u32 s0, $0xA;
	s2 =	sadd.s32 s3, s2  }
0x8d: {  	s2 =	sadd.s32 s2, s17  }
0x8e: {  	[smem:$0x3FC4] =	sst s2  }
0x8f: {  	_ = 	snop  }
0x90: {  	s2 =	sld [smem:$0x3FC7];
	(tm) =	ssettm $0x1  }
0x91: {  	s18 =	sld [smem:$0x3FFB];
	_ =	sdelay $0x3  }
0x92: {  	_ =	strace s18  }
0x93: {  	s3 =	sld [smem:$0x3FFC];
	_ =	sdelay $0x3  }
0x94: {  	_ =	strace s3  }
0x95: {  	s3 =	sld [smem:$0x3FFD];
	_ =	sdelay $0x3  }
0x96: {  	_ =	strace s3  }
0x97: {  	_ =	strace $0x8FFFFFFF  }
0x98: {  	s19 =	sld [smem:$0x3FDB];
	_ =	sdelay $0x1  }
0x99: {  	s4 =	simm.s32 $_scs_section_size  }
0x9a: {  	s5 =	simm.s32 $_size__tile_overlayer_lowered;
	s6 =	simm.s32 $_tile_overlayer_lowered  }
0x9b: {  	s22 =	simm.s32 $0x1BFF;
	s21 =	sshll.u32 s6, $0x1;
	s3 =	sadd.s32 s4, s19  }
0x9c: {  	s7 =	simm.s32 $0x0;
	s20 =	sshll.u32 s5, $0x1;
	s5 =	sadd.s32 s21, s3  }
0x9d: {  	[timem:s7], [sflag:s22] =	dma.local [hbm:s5], s20  }
0x9e: {  	_ =	swait.ge [sflag:s22], s20  }
0x9f: {  	s4 =	ssub.s32 $0x0, s20;
	[sflag:s22] =	ssyncset.done $0x0  }
0xa0: {  	[sflag:s22] =	ssyncadd.s32 s4;
	_ =	sdelay $0x1  }
0xa1: {  	s23 =	simm.s32 $0x1B8B  }
0xa2: {  	_ =	swait.ge [sflag:s23], $0x1  }
0xa3: {  	[sflag:s23] =	ssyncset.done $0x0  }
0xa4: {  	s25 =	simm.s32 $0x1B8E;
	s24 =	sld [smem:$0x3FFE];
	[sflag:s23] =	ssyncadd.s32 $0xFFFFFFFF  }
0xa5: {  	s26 =	simm.s32 $execute0_lowered;
	[smem:$0x3FD2] =	sst s25  }
0xa6: {  	s5 =	sshll.u32 s26, $0x1;
	_ =	strace $0x80000046;
	[dreg:$0x1] =	wrdreg $0xFFFFFFFF  }
0xa7: {  	s28 =	simm.s32 $_size_execute0_lowered;
	s3 =	sadd.s32 s3, s5;
	[dreg:$0x0] =	wrdreg $0x0  }
0xa8: {  	s5 =	sshll.u32 s28, $0x1;
	[dreg:$0x2] =	wrdreg s3  }
0xa9: {  	[dreg:$0x3] =	wrdreg s5  }
0xaa: {  	[dreg:$0x4] =	wrdreg $0xC0  }
0xab: {  	_ =	task [dreg:s7], $0x5FFFF  }
0xac: {  	[dreg:$0x1] =	wrdreg $0xFFFFFFFF  }
0xad: {  	[dreg:$0x0] =	wrdreg $0x60  }
0xae: {  	[dreg:$0x2] =	wrdreg s2  }
0xaf: {  	[dreg:$0x3] =	wrdreg s24  }
0xb0: {  	[dreg:$0x4] =	wrdreg $0x9  }
0xb1: {  	_ =	task.clear_ibuf [dreg:s7], $0x5FFFF;
	_ =	strace $0x90000046  }
0xb2: {  	s29 =	simm.s32 $0x9;
	_ =	strace $0x80000048  }
0xb3: {  	_ =	swait.ge [sflag:s29], $0x1  }
0xb4: {  	[sflag:s29] =	ssyncadd.s32 $0xFFFFFFFF  }
0xb5: {  	_ =	strace $0x90000048  }
0xb6: {  	_ =	sfence  }
0xb7: {  	s30 =	sld [smem:$0x0];
	_ =	sdelay $0x2  }
0xb8: {  	s31 =	sshll.u32 s1, $0xD;
	s1 =	sshrl.u32 s1, $0x2  }
0xb9: {  	s3 =	sand.u32 $0x4000, s31;
	s1 =	sadd.s32 s1, s30  }
0xba: {  	s0 =	sor.u32 s3, s0;
	s1 =	sshll.u32 s1, $0x11  }
0xbb: {  	s0 =	sor.u32 s1, s0  }
0xbc: {  	s0 =	sadd.s32 $0x8F2B, s0  }
0xbd: {  	[sflag:s0] =	ssyncadd.remote.s32 $0x1  }
0xbe: {  	_ =	sfence.sel $0xFFFF  }
0xbf: {  	[dreg:$0x0] =	wrdreg $0xFFFFFFFF;
	(pc) =	sbr.abs _section_cstart, $3  }
0xc0: {  	[dreg:$0x1] =	wrdreg $0xFFFFFFFF  }
0xc1: {  	_ =	task.clear_ibuf [dreg:s7], $0x2FFFF;
	_ =	strace $0x9FFFFFFF  }
0xc2: {  	(tm) =	ssettm $0x7FFFFFFF  }
0xc3: {  	_ =	shalt  }
tec
execute0_lowered:
.L_overlay_start_1:
0x0: {  	(tag) =	ssettag $0x1  }
0x1: {  	s4 =	rddreg [dreg:$0x0]  }
0x2: {  	s2 =	rddreg [dreg:$0x1];
	s3 =	srdreg.scid  }
0x3: {  	s0 =	rddreg [dreg:$0x2];
	s1 =	stileid.u32;
	s8 =	sand.u32 $0x1, s3  }
0x4: {  	s3 =	simm.s32 $0x0;
	s5 =	sshll.u32 s1, $0x5;
	s6 =	sshll.u32 s8, $0x4  }
0x5: {  	[smem:$0x7FF] =	sst s3;
	s9 =	sor.u32 s6, s5  }
0x6: {  	_ =	strace $0x80000047;
	s5 =	sadd.s32 s4, s9;
	s4 =	simm.s32 $0x2  }
0x7: {  	[tilespmem:s3], [sflag:$0x2] =	stream.linear.gather [hbm4b:s5+s3], $0x80, $0x38;
	[tilespmem:$0x180] =	vst v63  }
0x8: {  	_ =	swait.ge [sflag:s4], $0x80  }
0x9: {  	[sflag:s4] =	ssyncset.done $0x0  }
0xa: {  	s7 =	simm.s32 $0x1;
	s6 =	simm.s32 $0x80;
	[sflag:s4] =	ssyncadd.s32 $0xFFFFFF80  }
0xb: {  	[tilespmem:s6], [sflag:$0x1] =	stream.indirect.gather [hbm4b:s2+s6], $0x1, s3, s6, $0xb8;
	[tilespmem:$0x180] =	vst v63  }
0xc: {  	_ =	swait.ge [sflag:s7], $0x80  }
0xd: {  	[sflag:s7] =	ssyncset.done $0x0  }
0xe: {  	[sflag:s7] =	ssyncadd.s32 $0xFFFFFF80  }
0xf: {  	v0 =	vld [tilespmem:$0x80]  }
0x10: {  	v1 =	vld [tilespmem:$0x90];
	_ =	sdelay $0x1  }
0x11: {  	v2 =	vld [tilespmem:$0xA0];
	_ =	sdelay $0x1  }
0x12: {  	v3 =	vld [tilespmem:$0xB0]  }
0x13: {  	v0 =	vadd.f32 v1, v0  }
0x14: {  	v60 =	vld [tilespmem:$0xC0]  }
0x15: {  	v0 =	vadd.f32 v2, v0  }
0x16: {  	v61 =	vld [tilespmem:$0xD0]  }
0x17: {  	v0 =	vadd.f32 v3, v0  }
0x18: {  	v62 =	vld [tilespmem:$0xE0]  }
0x19: {  	v0 =	vadd.f32 v60, v0  }
0x1a: {  	s8 =	ssub.s32 $0x2, s8;
	v63 =	vld [tilespmem:$0xF0]  }
0x1b: {  	s10 =	sshrl.u32 s8, $0x1;
	v0 =	vadd.f32 v61, v0  }
0x1c: {  	s10 =	ssub.s32 s8, s10  }
0x1d: {  	s10 =	smax.u32 s10, $0x1;
	v0 =	vadd.f32 v62, v0  }
0x1e: {  	p0 =	sne.s32 s10, $0x1  }
.Ltmp0:
0x1f: {  	v0 =	vadd.f32 v63, v0;
	(pc) =	sbr.rel @!p0 .LBB2_2-.Ltmp0, $4  }
0x20: {  	s9 =	sadd.s32 s9, s2  }
0x21: {  	s8 =	sadd.s32 $0x1A00, s9;
	s9 =	simm.s32 $0x100;
	[tilespmem:$0x100] =	vst v0  }
0x22: {  	[hbm4b:s8+s3] =	stream.linear.scatter [tilespmem:s9], [sflag:$0x2], $0x80, $0x38;
	[tilespmem:$0x180] =	vst v63  }
0x23: {  	s10 =	sadd.s32 $0xFFFFFFFF, s10;
	_ =	swait.ge [sflag:s4], $0x80  }
.LBB2_1:
0x24: {  	p0 =	sne.s32 s10, $0x1;
	s10 =	sadd.s32 $0xFFFFFFFF, s10;
	[sflag:s4] =	ssyncset.done $0x0  }
0x25: {  	[sflag:s4] =	ssyncadd.s32 $0xFFFFFF80  }
0x26: {  	[tilespmem:s3], [sflag:$0x2] =	stream.linear.gather [hbm4b:s5+s3], $0x80, $0x38;
	[tilespmem:$0x180] =	vst v63  }
0x27: {  	_ =	swait.ge [sflag:s4], $0x80  }
0x28: {  	[sflag:s4] =	ssyncset.done $0x0  }
0x29: {  	[sflag:s4] =	ssyncadd.s32 $0xFFFFFF80  }
0x2a: {  	[tilespmem:s6], [sflag:$0x1] =	stream.indirect.gather [hbm4b:s2+s6], $0x1, s3, s6, $0xb8;
	[tilespmem:$0x180] =	vst v63  }
0x2b: {  	_ =	swait.ge [sflag:s7], $0x80  }
0x2c: {  	[sflag:s7] =	ssyncset.done $0x0  }
0x2d: {  	[sflag:s7] =	ssyncadd.s32 $0xFFFFFF80  }
0x2e: {  	v0 =	vld [tilespmem:$0x80]  }
0x2f: {  	v1 =	vld [tilespmem:$0x90]  }
0x30: {  	v2 =	vld [tilespmem:$0xA0];
	_ =	sdelay $0x1  }
0x31: {  	v3 =	vld [tilespmem:$0xB0];
	_ =	sdelay $0x1  }
0x32: {  	v0 =	vadd.f32 v1, v0;
	v1 =	vld [tilespmem:$0xC0];
	_ =	sdelay $0x1  }
0x33: {  	v0 =	vadd.f32 v2, v0;
	v2 =	vld [tilespmem:$0xD0];
	_ =	sdelay $0x1  }
0x34: {  	v0 =	vadd.f32 v3, v0;
	v3 =	vld [tilespmem:$0xE0];
	_ =	sdelay $0x1  }
0x35: {  	v0 =	vadd.f32 v1, v0;
	v1 =	vld [tilespmem:$0xF0];
	_ =	sdelay $0x1  }
0x36: {  	v0 =	vadd.f32 v2, v0;
	_ =	sdelay $0x1  }
0x37: {  	v0 =	vadd.f32 v3, v0;
	_ =	sdelay $0x1  }
.Ltmp1:
0x38: {  	v0 =	vadd.f32 v1, v0;
	(pc) =	sbr.rel @p0 .LBB2_1-.Ltmp1, $4  }
0x39: {  	_ = 	snop  }
0x3a: {  	[tilespmem:$0x100] =	vst v0  }
0x3b: {  	[hbm4b:s8+s3] =	stream.linear.scatter [tilespmem:s9], [sflag:$0x2], $0x80, $0x38;
	[tilespmem:$0x180] =	vst v63  }
0x3c: {  	_ =	swait.ge [sflag:s4], $0x80  }
.LBB2_2:
0x3d: {  	[sflag:s4] =	ssyncset.done $0x0  }
0x3e: {  	[sflag:s4] =	ssyncadd.s32 $0xFFFFFF80  }
0x3f: {  	_ =	sfence.sel $0x180000  }
0x40: {  	[bflag:$0x0] =	sbarrier.arrive $0xFFFF  }
0x41: {  	p0 =	sne.s32 s1, $0x0;
	_ =	strace $0x90000047  }
0x42: {  	s0 =	sadd.s32 @!p0 $0x100000, s0;
	[bflag:$0x2] =	sbarrier.arrive $0xFFFF  }
0x43: {  	[sflag:s0] =	ssyncadd.tile.s32 @!p0 $0x1;
	_ =	shalt  }
.Lfunc_end2:
_tile_overlayer_lowered:
.L_overlay_start_2:
0x44: {  	(tag) =	ssettag $0x2  }
0x45: {  	s0 =	rddreg [dreg:$0x0];
	s2 =	stileid.u32  }
0x46: {  	s1 =	rddreg [dreg:$0x1];
	p0 =	sne.s32 s2, $0x0  }
0x47: {  	s3 =	rddreg [dreg:$0x2];
	[bflag:$0x3] =	sbarrier.arrive $0xFFFF;
	s2 =	simm.s32 @!p0 $0x1C02  }
0x48: {  	[timem:s3], [sflag:s2] =	dma.local @!p0 [hbm:s0], s1  }
0x49: {  	s0 =	simm.s32 @!p0 $0x2  }
0x4a: {  	_ =	swait.ge @!p0 [sflag:s0], s1  }
0x4b: {  	s1 =	ssub.s32 @!p0 $0x0, s1;
	[sflag:s0] =	ssyncset.done @!p0 $0x0  }
0x4c: {  	[sflag:s0] =	ssyncadd.s32 @!p0 s1  }
0x4d: {  	[bflag:$0x3] =	sbarrier.arrive $0xFFFF  }
0x4e: {  	_ =	shalt  }

</sc_bundles>
